<compile_context>
chip_gen: v7x
topology: tpu7x:2x2x1
jax: 0.10.2.dev20260603
libtpu: 0.0.44.dev20260713+nightly
codegen_flags: <defaults>
</compile_context>

<pallas_src>
import functools

import jax
import jax.numpy as jnp
from jax.experimental import pallas as pl
from jax.experimental.pallas import tpu as pltpu

W = 128
KSEL = 64
KMAX = 50
NEG_INF = float("-inf")


def _bmax_body(x_ref, o_ref, *, nb):
    x = x_ref[...]
    o_ref[...] = jnp.max(x.reshape(x.shape[0], nb, W), axis=2).reshape(
        o_ref.shape)


def _select_body(bm_ref, ids_ref, *, nblk):
    vals = bm_ref[...]
    b = vals.shape[0]
    ksel = ids_ref.shape[1]
    cols = jax.lax.broadcasted_iota(jnp.int32, (b, nblk), 1)
    slot = jax.lax.broadcasted_iota(jnp.int32, (b, ksel), 1)

    def body(j, carry):
        v, acc = carry
        cur = jnp.max(v, axis=1, keepdims=True)
        idx = jnp.min(jnp.where(v == cur, cols, nblk), axis=1, keepdims=True)
        acc = jnp.where(slot == j, idx, acc)
        return jnp.where(cols == idx, NEG_INF, v), acc

    _, acc = jax.lax.fori_loop(
        0, KSEL, body, (vals, jnp.zeros((b, ksel), jnp.int32)))
    ids_ref[...] = acc


def _gather_body(ids_ref, x_ref, o_ref):
    o_ref[...] = x_ref[...].reshape(o_ref.shape)


def _rotl(x, r):
    return jax.lax.shift_left(x, jnp.uint32(r)) | jax.lax.shift_right_logical(
        x, jnp.uint32(32 - r))


def _threefry_bits(counter):
    ks0 = jnp.uint32(0)
    ks1 = jnp.uint32(42)
    ks2 = jnp.uint32(0x1BD11BDA) ^ ks0 ^ ks1
    ks = (ks0, ks1, ks2)
    rot = (13, 15, 26, 6, 17, 29, 16, 24)
    x0 = jnp.zeros_like(counter) + ks0
    x1 = counter + ks1
    for i in range(5):
        r4 = rot[:4] if i % 2 == 0 else rot[4:]
        for r in r4:
            x0 = x0 + x1
            x1 = _rotl(x1, r)
            x1 = x1 ^ x0
        x0 = x0 + ks[(i + 1) % 3]
        x1 = x1 + ks[(i + 2) % 3] + jnp.uint32(i + 1)
    return x0 ^ x1


def _topk_sample_body(vals_ref, cols_ref, tk_ref, kth_ref, m_ref, z_ref,
                      tok_ref, *, n):
    vals = vals_ref[...]
    cols = cols_ref[...]
    b, c = vals.shape
    m = jnp.max(vals, axis=1, keepdims=True)
    m_ref[...] = m

    lane = jax.lax.broadcasted_iota(jnp.int32, (b, c), 1)
    kiota = jax.lax.broadcasted_iota(jnp.int32, (b, KMAX), 1)

    def body(j, carry):
        v, acc = carry
        cur = jnp.max(v, axis=1, keepdims=True)
        idx = jnp.min(jnp.where(v == cur, lane, c), axis=1, keepdims=True)
        acc = jnp.where(kiota == j, cur, acc)
        return jnp.where(lane == idx, NEG_INF, v), acc

    _, acc = jax.lax.fori_loop(
        0, KMAX, body, (vals, jnp.zeros((b, KMAX), jnp.float32)))
    top_k = tk_ref[0, 0]
    kth = jnp.sum(jnp.where(kiota == top_k - 1, acc, 0.0), axis=1,
                  keepdims=True)
    kth_ref[...] = kth

    keep = vals >= kth
    z_ref[...] = jnp.sum(jnp.where(keep, jnp.exp(vals - m), 0.0), axis=1,
                         keepdims=True)

    row = jax.lax.broadcasted_iota(jnp.int32, (b, c), 0)
    counter = (row * n + cols).astype(jnp.uint32)
    bits = _threefry_bits(counter)
    f = jax.lax.bitcast_convert_type(
        jax.lax.shift_right_logical(bits, jnp.uint32(9))
        | jnp.uint32(0x3F800000), jnp.float32) - 1.0
    tiny = jnp.float32(jnp.finfo(jnp.float32).tiny)
    u = jnp.maximum(tiny, f * (jnp.float32(1.0) - tiny) + tiny)
    g = -jnp.log(-jnp.log(u))
    score = jnp.where(keep, vals + g, NEG_INF)
    best = jnp.max(score, axis=1, keepdims=True)
    tok_ref[...] = jnp.min(jnp.where(score == best, cols, n), axis=1,
                           keepdims=True)


def _probs_body(x_ref, kth_ref, m_ref, z_ref, o_ref):
    x = x_ref[...]
    e = jnp.where(x >= kth_ref[...], jnp.exp(x - m_ref[...]), 0.0)
    o_ref[...] = e / z_ref[...]


def kernel(logits, top_k):
    b, n = logits.shape
    nblk = n // W
    tail_start = nblk * W
    tail = n - tail_start
    ksel = min(KSEL, nblk)

    nb_tile = next(f for f in range(128, 0, -1) if nblk % f == 0)
    tile_a = nb_tile * W
    grid_a = nblk // nb_tile

    bmax = pl.pallas_call(
        functools.partial(_bmax_body, nb=nb_tile),
        grid=(grid_a,),
        in_specs=[pl.BlockSpec((b, tile_a), lambda i: (0, i))],
        out_specs=pl.BlockSpec((b, 1, 1, nb_tile), lambda i: (0, i, 0, 0)),
        out_shape=jax.ShapeDtypeStruct((b, grid_a, 1, nb_tile), jnp.float32),
    )(logits)
    bmax = bmax.reshape(b, nblk)

    ids = pl.pallas_call(
        functools.partial(_select_body, nblk=nblk),
        in_specs=[pl.BlockSpec((b, nblk), lambda: (0, 0))],
        out_specs=pl.BlockSpec((b, ksel), lambda: (0, 0)),
        out_shape=jax.ShapeDtypeStruct((b, ksel), jnp.int32),
    )(bmax)

    ids_flat = ids.reshape(b * ksel)
    grid_spec = pltpu.PrefetchScalarGridSpec(
        num_scalar_prefetch=1,
        grid=(b * ksel,),
        in_specs=[pl.BlockSpec((b, W), lambda s, ids: (0, ids[s]))],
        out_specs=pl.BlockSpec((1, b, W), lambda s, ids: (s, 0, 0)),
    )
    cands_full = pl.pallas_call(
        _gather_body,
        grid_spec=grid_spec,
        out_shape=jax.ShapeDtypeStruct((b * ksel, b, W), jnp.float32),
    )(ids_flat, logits)
    cf = cands_full.reshape(b, ksel, b, W)
    row_idx = jnp.broadcast_to(
        jnp.arange(b, dtype=jnp.int32).reshape(b, 1, 1, 1), (b, ksel, 1, W))
    cands = jnp.take_along_axis(cf, row_idx, axis=2)

    cand_vals = jnp.concatenate(
        [cands.reshape(b, ksel * W), logits[:, tail_start:]], axis=1)
    cand_cols = jnp.concatenate(
        [(ids[:, :, None] * W + jnp.arange(W, dtype=jnp.int32)[None, None, :]
          ).reshape(b, ksel * W),
         jnp.broadcast_to(
             tail_start + jnp.arange(tail, dtype=jnp.int32)[None, :],
             (b, tail))], axis=1)
    tk = jnp.asarray(top_k, jnp.int32).reshape(1, 1)

    cand = ksel * W + tail
    kth, m, z, tok = pl.pallas_call(
        functools.partial(_topk_sample_body, n=n),
        in_specs=[
            pl.BlockSpec((b, cand), lambda: (0, 0)),
            pl.BlockSpec((b, cand), lambda: (0, 0)),
            pl.BlockSpec(memory_space=pltpu.SMEM),
        ],
        out_specs=[
            pl.BlockSpec((b, 1), lambda: (0, 0)),
            pl.BlockSpec((b, 1), lambda: (0, 0)),
            pl.BlockSpec((b, 1), lambda: (0, 0)),
            pl.BlockSpec((b, 1), lambda: (0, 0)),
        ],
        out_shape=[
            jax.ShapeDtypeStruct((b, 1), jnp.float32),
            jax.ShapeDtypeStruct((b, 1), jnp.float32),
            jax.ShapeDtypeStruct((b, 1), jnp.float32),
            jax.ShapeDtypeStruct((b, 1), jnp.int32),
        ],
    )(cand_vals, cand_cols, tk)

    tile_e = 16384
    grid_e = pl.cdiv(n, tile_e)
    probs = pl.pallas_call(
        _probs_body,
        grid=(grid_e,),
        in_specs=[
            pl.BlockSpec((b, tile_e), lambda i: (0, i)),
            pl.BlockSpec((b, 1), lambda i: (0, 0)),
            pl.BlockSpec((b, 1), lambda i: (0, 0)),
            pl.BlockSpec((b, 1), lambda i: (0, 0)),
        ],
        out_specs=pl.BlockSpec((b, tile_e), lambda i: (0, i)),
        out_shape=jax.ShapeDtypeStruct((b, n), jnp.float32),
    )(logits, kth, m, z)

    return probs, tok.reshape(b)

# --- scband reference (transcript-rebuilt; emitter-appended) ---
"""Pipeline reference for scband-t5-model-46454366273647 (READ-ONLY COPY).

The authoritative reference and input builder live on the scoring server;
editing this copy changes nothing except your own understanding.
"""

import jax, jax.numpy as jnp
import numpy as np

TEMPERATURE = 1.0
TOP_P = 0.0
FILTER_VALUE = float('-inf')


def setup_inputs(seed: int = 0) -> dict:
    key = jax.random.key(seed)
    logits = jax.random.normal(key, (8, 1000000), dtype=jnp.float32) * 4.0
    return {"logits": logits, "top_k": 50}


def _filter_row(logits_row, top_k, top_p):
    # top-k filtering: mask everything below the k-th largest logit
    topk_vals = jax.lax.top_k(logits_row, 50)[0]
    kth = topk_vals[top_k - 1]
    filtered = jnp.where(logits_row < kth, FILTER_VALUE, logits_row)
    if top_p > 0.0:
        # nucleus (top-p) filtering, faithful to the torch reference
        order = jnp.argsort(-filtered)
        sorted_logits = filtered[order]
        cumulative_probs = jnp.cumsum(jax.nn.softmax(sorted_logits, axis=-1), axis=-1)
        remove = cumulative_probs > top_p
        remove = jnp.concatenate([jnp.zeros((1,), dtype=bool), remove[:-1]])
        sorted_filtered = jnp.where(remove, FILTER_VALUE, sorted_logits)
        filtered = jnp.zeros_like(filtered).at[order].set(sorted_filtered)
    return filtered


def reference(logits, top_k):
    # next_token_logits = outputs[-1, :] / temperature
    scaled = logits / (TEMPERATURE if TEMPERATURE > 0 else 1.0)
    # filtered_logits = top_k_top_p_filtering(next_token_logits, top_k, top_p), vmapped over batch
    filtered = jax.vmap(lambda r: _filter_row(r, top_k, TOP_P))(scaled)
    # next_token = torch.multinomial(F.softmax(filtered_logits, dim=-1), num_samples=1)
    probs = jax.nn.softmax(filtered, axis=-1)
    tokens = jax.random.categorical(jax.random.key(42), filtered, axis=-1)
    return probs, tokens

if __name__ == "__main__":
    import jax
    _d = setup_inputs()
    print(jax.jit(kernel)(*tuple(_d.values())))

</pallas_src>

<mosaic_0001>
module attributes {stable_mosaic.version = 14 : i64} {
  func.func @_bmax_body(%arg0: i32, %arg1: memref<8x16128xf32, #tpu.memory_space<vmem>>, %arg2: memref<8x1x1x126xf32, #tpu.memory_space<vmem>>) attributes {dimension_semantics = [#tpu.dimension_semantics<arbitrary>], iteration_bounds = array<i64: 62>, scalar_prefetch = 0 : i64, scratch_operands = 0 : i64, tpu.core_type = #tpu.core_type<tc>, window_params = [{transform_indices = @transform_0, window_bounds = array<i64: 8, 16128>}, {transform_indices = @transform_1, window_bounds = array<i64: 8, 1, 1, 126>}]} {
    %get3A = arith.constant 0 : index
    %get3A_0 = arith.constant 0 : index
    %get3A_1 = vector.load %arg1[%get3A, %get3A_0] : memref<8x16128xf32, #tpu.memory_space<vmem>>, vector<8x16128xf32>
    %reshape3A = vector.shape_cast %get3A_1 : vector<8x16128xf32> to vector<8x126x128xf32>
    %reduce_max3A = arith.constant dense<0xFF800000> : vector<8x126xf32>
    %reduce_max3A_2 = vector.multi_reduction <maximumf>, %reshape3A, %reduce_max3A [2] : vector<8x126x128xf32> to vector<8x126xf32>
    %reshape3A_3 = vector.shape_cast %reduce_max3A_2 : vector<8x126xf32> to vector<8x1x1x126xf32>
    %swap3A = arith.constant 0 : index
    %swap3A_4 = arith.constant 0 : index
    %swap3A_5 = arith.constant 0 : index
    %swap3A_6 = arith.constant 0 : index
    %swap3A_7 = vector.load %arg2[%swap3A, %swap3A_4, %swap3A_5, %swap3A_6] : memref<8x1x1x126xf32, #tpu.memory_space<vmem>>, vector<8x1x1x126xf32>
    tpu.vector_store %arg2[%swap3A, %swap3A_4, %swap3A_5, %swap3A_6], %reshape3A_3 {strides = array<i32>} : memref<8x1x1x126xf32, #tpu.memory_space<vmem>>, vector<8x1x1x126xf32>,
    return
  }
  func.func @transform_0(%arg0: i32) -> (i32, i32) {
    %c0_i32 = arith.constant 0 : i32
    %c0_i32_0 = arith.constant 0 : i32
    return %c0_i32, %arg0 : i32, i32
  }
  func.func @transform_1(%arg0: i32) -> (i32, i32, i32, i32) {
    %c0_i32 = arith.constant 0 : i32
    %c0_i32_0 = arith.constant 0 : i32
    %c0_i32_1 = arith.constant 0 : i32
    %c0_i32_2 = arith.constant 0 : i32
    return %c0_i32, %arg0, %c0_i32_0, %c0_i32_1 : i32, i32, i32, i32
  }
}

module attributes {stable_mosaic.version = 14 : i64} {
  func.func @_select_body(%arg0: memref<8x7812xf32, #tpu.memory_space<vmem>>, %arg1: memref<8x64xi32, #tpu.memory_space<vmem>>) attributes {dimension_semantics = [], scalar_prefetch = 0 : i64, scratch_operands = 0 : i64, tpu.core_type = #tpu.core_type<tc>} {
    %get3A = arith.constant 0 : index
    %get3A_0 = arith.constant 0 : index
    %get3A_1 = vector.load %arg0[%get3A, %get3A_0] : memref<8x7812xf32, #tpu.memory_space<vmem>>, vector<8x7812xf32>
    %iota3A = tpu.iota {dimensions = array<i32: 1>} : vector<8x7812xi32>
    %iota3A_2 = tpu.iota {dimensions = array<i32: 1>} : vector<8x64xi32>
    %broadcast_in_dim3A = arith.constant 0 : i32
    %broadcast_in_dim3A_3 = vector.broadcast %broadcast_in_dim3A : i32 to vector<8x64xi32>
    %scan3A = arith.constant 0 : i32
    %scan3A_4 = arith.constant 64 : i32
    %scan3A_5 = arith.addi %scan3A, %scan3A_4 : i32
    %scan3A_6 = arith.constant 1 : i32
    %scan3A_7:2 = scf.for %scan3A_11 = %scan3A to %scan3A_5 step %scan3A_6 iter_args(%scan3A_12 = %get3A_1, %scan3A_13 = %broadcast_in_dim3A_3) -> (vector<8x7812xf32>, vector<8x64xi32>)  : i32 {
      %reduce_max3A = arith.constant dense<0xFF800000> : vector<8xf32>
      %reduce_max3A_14 = vector.multi_reduction <maximumf>, %scan3A_12, %reduce_max3A [1] : vector<8x7812xf32> to vector<8xf32>
      %broadcast_in_dim3A_15 = vector.shape_cast %reduce_max3A_14 : vector<8xf32> to vector<8x1xf32>
      %eq3A = vector.broadcast %broadcast_in_dim3A_15 : vector<8x1xf32> to vector<8x7812xf32>
      %eq3A_16 = arith.cmpf oeq, %scan3A_12, %eq3A : vector<8x7812xf32>
      %jit3A = arith.constant 7812 : i32
      %broadcast_in_dim3A_17 = vector.broadcast %jit3A : i32 to vector<8x7812xi32>
      %select_n3A = arith.select %eq3A_16, %iota3A, %broadcast_in_dim3A_17 : vector<8x7812xi1>, vector<8x7812xi32>
      %reduce_min3A = arith.constant dense<2147483647> : vector<8xi32>
      %reduce_min3A_18 = vector.multi_reduction <minsi>, %select_n3A, %reduce_min3A [1] : vector<8x7812xi32> to vector<8xi32>
      %broadcast_in_dim3A_19 = vector.shape_cast %reduce_min3A_18 : vector<8xi32> to vector<8x1xi32>
      %eq3A_20 = vector.broadcast %scan3A_11 : i32 to vector<8x64xi32>
      %eq3A_21 = arith.cmpi eq, %iota3A_2, %eq3A_20 : vector<8x64xi32>
      %broadcast_in_dim3A_22 = vector.shape_cast %broadcast_in_dim3A_19 : vector<8x1xi32> to vector<8x1xi32>
      %broadcast_in_dim3A_23 = vector.broadcast %broadcast_in_dim3A_22 : vector<8x1xi32> to vector<8x64xi32>
      %select_n3A_24 = arith.select %eq3A_21, %broadcast_in_dim3A_23, %scan3A_13 : vector<8x64xi1>, vector<8x64xi32>
      %eq3A_25 = vector.broadcast %broadcast_in_dim3A_19 : vector<8x1xi32> to vector<8x7812xi32>
      %eq3A_26 = arith.cmpi eq, %iota3A, %eq3A_25 : vector<8x7812xi32>
      %jit3A_27 = arith.constant 0xFF800000 : f32
      %broadcast_in_dim3A_28 = vector.broadcast %jit3A_27 : f32 to vector<8x7812xf32>
      %select_n3A_29 = arith.select %eq3A_26, %broadcast_in_dim3A_28, %scan3A_12 : vector<8x7812xi1>, vector<8x7812xf32>
      scf.yield %select_n3A_29, %select_n3A_24 : vector<8x7812xf32>, vector<8x64xi32>
    }
    %scan3A_8 = arith.constant 64 : i32
    %swap3A = arith.constant 0 : index
    %swap3A_9 = arith.constant 0 : index
    %swap3A_10 = vector.load %arg1[%swap3A, %swap3A_9] : memref<8x64xi32, #tpu.memory_space<vmem>>, vector<8x64xi32>
    tpu.vector_store %arg1[%swap3A, %swap3A_9], %scan3A_7#1 {strides = array<i32>} : memref<8x64xi32, #tpu.memory_space<vmem>>, vector<8x64xi32>,
    return
  }
}

module attributes {stable_mosaic.version = 14 : i64} {
  func.func @_gather_body(%arg0: i32, %arg1: memref<512xi32, #tpu.memory_space<smem>>, %arg2: memref<8x128xf32, #tpu.memory_space<vmem>>, %arg3: memref<1x8x128xf32, #tpu.memory_space<vmem>>) attributes {dimension_semantics = [#tpu.dimension_semantics<arbitrary>], iteration_bounds = array<i64: 512>, scalar_prefetch = 1 : i64, scratch_operands = 0 : i64, tpu.core_type = #tpu.core_type<tc>, window_params = [{transform_indices = @transform_0, window_bounds = array<i64: 8, 128>}, {transform_indices = @transform_1, window_bounds = array<i64: 1, 8, 128>}]} {
    %get3A = arith.constant 0 : index
    %get3A_0 = arith.constant 0 : index
    %get3A_1 = vector.load %arg2[%get3A, %get3A_0] : memref<8x128xf32, #tpu.memory_space<vmem>>, vector<8x128xf32>
    %reshape3A = vector.shape_cast %get3A_1 : vector<8x128xf32> to vector<1x8x128xf32>
    %swap3A = arith.constant 0 : index
    %swap3A_2 = arith.constant 0 : index
    %swap3A_3 = arith.constant 0 : index
    %swap3A_4 = vector.load %arg3[%swap3A, %swap3A_2, %swap3A_3] : memref<1x8x128xf32, #tpu.memory_space<vmem>>, vector<1x8x128xf32>
    tpu.vector_store %arg3[%swap3A, %swap3A_2, %swap3A_3], %reshape3A {strides = array<i32>} : memref<1x8x128xf32, #tpu.memory_space<vmem>>, vector<1x8x128xf32>,
    return
  }
  func.func @transform_0(%arg0: i32, %arg1: memref<512xi32, #tpu.memory_space<smem>>) -> (i32, i32) {
    %get3A = arith.index_cast %arg0 : i32 to index
    %get3A_0 = memref.load %arg1[%get3A] : memref<512xi32, #tpu.memory_space<smem>>
    %c0_i32 = arith.constant 0 : i32
    %c0_i32_1 = arith.constant 0 : i32
    return %c0_i32, %get3A_0 : i32, i32
  }
  func.func @transform_1(%arg0: i32, %arg1: memref<512xi32, #tpu.memory_space<smem>>) -> (i32, i32, i32) {
    %c0_i32 = arith.constant 0 : i32
    %c0_i32_0 = arith.constant 0 : i32
    %c0_i32_1 = arith.constant 0 : i32
    return %arg0, %c0_i32, %c0_i32_0 : i32, i32, i32
  }
}

module attributes {stable_mosaic.version = 14 : i64} {
  func.func @_topk_sample_body(%arg0: memref<8x8256xf32, #tpu.memory_space<vmem>>, %arg1: memref<8x8256xi32, #tpu.memory_space<vmem>>, %arg2: memref<1x1xi32, #tpu.memory_space<smem>>, %arg3: memref<8x1xf32, #tpu.memory_space<vmem>>, %arg4: memref<8x1xf32, #tpu.memory_space<vmem>>, %arg5: memref<8x1xf32, #tpu.memory_space<vmem>>, %arg6: memref<8x1xi32, #tpu.memory_space<vmem>>) attributes {dimension_semantics = [], scalar_prefetch = 0 : i64, scratch_operands = 0 : i64, tpu.core_type = #tpu.core_type<tc>} {
    %get3A = arith.constant 0 : index
    %get3A_0 = arith.constant 0 : index
    %get3A_1 = vector.load %arg0[%get3A, %get3A_0] : memref<8x8256xf32, #tpu.memory_space<vmem>>, vector<8x8256xf32>
    %get3A_2 = arith.constant 0 : index
    %get3A_3 = arith.constant 0 : index
    %get3A_4 = vector.load %arg1[%get3A_2, %get3A_3] : memref<8x8256xi32, #tpu.memory_space<vmem>>, vector<8x8256xi32>
    %reduce_max3A = arith.constant dense<0xFF800000> : vector<8xf32>
    %reduce_max3A_5 = vector.multi_reduction <maximumf>, %get3A_1, %reduce_max3A [1] : vector<8x8256xf32> to vector<8xf32>
    %broadcast_in_dim3A = vector.shape_cast %reduce_max3A_5 : vector<8xf32> to vector<8x1xf32>
    %swap3A = arith.constant 0 : index
    %swap3A_6 = arith.constant 0 : index
    %swap3A_7 = vector.load %arg4[%swap3A, %swap3A_6] : memref<8x1xf32, #tpu.memory_space<vmem>>, vector<8x1xf32>
    tpu.vector_store %arg4[%swap3A, %swap3A_6], %broadcast_in_dim3A {strides = array<i32>} : memref<8x1xf32, #tpu.memory_space<vmem>>, vector<8x1xf32>,
    %iota3A = tpu.iota {dimensions = array<i32: 1>} : vector<8x8256xi32>
    %iota3A_8 = tpu.iota {dimensions = array<i32: 1>} : vector<8x50xi32>
    %broadcast_in_dim3A_9 = arith.constant 0.000000e+00 : f32
    %broadcast_in_dim3A_10 = vector.broadcast %broadcast_in_dim3A_9 : f32 to vector<8x50xf32>
    %scan3A = arith.constant 0 : i32
    %scan3A_11 = arith.constant 50 : i32
    %scan3A_12 = arith.addi %scan3A, %scan3A_11 : i32
    %scan3A_13 = arith.constant 1 : i32
    %scan3A_14:2 = scf.for %scan3A_315 = %scan3A to %scan3A_12 step %scan3A_13 iter_args(%scan3A_316 = %get3A_1, %scan3A_317 = %broadcast_in_dim3A_10) -> (vector<8x8256xf32>, vector<8x50xf32>)  : i32 {
      %reduce_max3A_318 = arith.constant dense<0xFF800000> : vector<8xf32>
      %reduce_max3A_319 = vector.multi_reduction <maximumf>, %scan3A_316, %reduce_max3A_318 [1] : vector<8x8256xf32> to vector<8xf32>
      %broadcast_in_dim3A_320 = vector.shape_cast %reduce_max3A_319 : vector<8xf32> to vector<8x1xf32>
      %eq3A_321 = vector.broadcast %broadcast_in_dim3A_320 : vector<8x1xf32> to vector<8x8256xf32>
      %eq3A_322 = arith.cmpf oeq, %scan3A_316, %eq3A_321 : vector<8x8256xf32>
      %jit3A_323 = arith.constant 8256 : i32
      %broadcast_in_dim3A_324 = vector.broadcast %jit3A_323 : i32 to vector<8x8256xi32>
      %select_n3A_325 = arith.select %eq3A_322, %iota3A, %broadcast_in_dim3A_324 : vector<8x8256xi1>, vector<8x8256xi32>
      %reduce_min3A_326 = arith.constant dense<2147483647> : vector<8xi32>
      %reduce_min3A_327 = vector.multi_reduction <minsi>, %select_n3A_325, %reduce_min3A_326 [1] : vector<8x8256xi32> to vector<8xi32>
      %broadcast_in_dim3A_328 = vector.shape_cast %reduce_min3A_327 : vector<8xi32> to vector<8x1xi32>
      %eq3A_329 = vector.broadcast %scan3A_315 : i32 to vector<8x50xi32>
      %eq3A_330 = arith.cmpi eq, %iota3A_8, %eq3A_329 : vector<8x50xi32>
      %broadcast_in_dim3A_331 = vector.shape_cast %broadcast_in_dim3A_320 : vector<8x1xf32> to vector<8x1xf32>
      %broadcast_in_dim3A_332 = vector.broadcast %broadcast_in_dim3A_331 : vector<8x1xf32> to vector<8x50xf32>
      %select_n3A_333 = arith.select %eq3A_330, %broadcast_in_dim3A_332, %scan3A_317 : vector<8x50xi1>, vector<8x50xf32>
      %eq3A_334 = vector.broadcast %broadcast_in_dim3A_328 : vector<8x1xi32> to vector<8x8256xi32>
      %eq3A_335 = arith.cmpi eq, %iota3A, %eq3A_334 : vector<8x8256xi32>
      %jit3A_336 = arith.constant 0xFF800000 : f32
      %broadcast_in_dim3A_337 = vector.broadcast %jit3A_336 : f32 to vector<8x8256xf32>
      %select_n3A_338 = arith.select %eq3A_335, %broadcast_in_dim3A_337, %scan3A_316 : vector<8x8256xi1>, vector<8x8256xf32>
      scf.yield %select_n3A_338, %select_n3A_333 : vector<8x8256xf32>, vector<8x50xf32>
    }
    %scan3A_15 = arith.constant 50 : i32
    %get3A_16 = arith.constant 0 : index
    %get3A_17 = arith.constant 0 : index
    %get3A_18 = memref.load %arg2[%get3A_16, %get3A_17] : memref<1x1xi32, #tpu.memory_space<smem>>
    %sub3A = arith.constant 1 : i32
    %sub3A_19 = arith.subi %get3A_18, %sub3A : i32
    %eq3A = vector.broadcast %sub3A_19 : i32 to vector<8x50xi32>
    %eq3A_20 = arith.cmpi eq, %iota3A_8, %eq3A : vector<8x50xi32>
    %jit3A = arith.constant 0.000000e+00 : f32
    %broadcast_in_dim3A_21 = vector.broadcast %jit3A : f32 to vector<8x50xf32>
    %select_n3A = arith.select %eq3A_20, %scan3A_14#1, %broadcast_in_dim3A_21 : vector<8x50xi1>, vector<8x50xf32>
    %reduce_sum3A = arith.constant dense<0.000000e+00> : vector<8xf32>
    %reduce_sum3A_22 = vector.multi_reduction <add>, %select_n3A, %reduce_sum3A [1] : vector<8x50xf32> to vector<8xf32>
    %broadcast_in_dim3A_23 = vector.shape_cast %reduce_sum3A_22 : vector<8xf32> to vector<8x1xf32>
    %swap3A_24 = arith.constant 0 : index
    %swap3A_25 = arith.constant 0 : index
    %swap3A_26 = vector.load %arg3[%swap3A_24, %swap3A_25] : memref<8x1xf32, #tpu.memory_space<vmem>>, vector<8x1xf32>
    tpu.vector_store %arg3[%swap3A_24, %swap3A_25], %broadcast_in_dim3A_23 {strides = array<i32>} : memref<8x1xf32, #tpu.memory_space<vmem>>, vector<8x1xf32>,
    %ge3A = vector.broadcast %broadcast_in_dim3A_23 : vector<8x1xf32> to vector<8x8256xf32>
    %ge3A_27 = arith.cmpf oge, %get3A_1, %ge3A : vector<8x8256xf32>
    %sub3A_28 = vector.broadcast %broadcast_in_dim3A : vector<8x1xf32> to vector<8x8256xf32>
    %sub3A_29 = arith.subf %get3A_1, %sub3A_28 : vector<8x8256xf32>
    %exp3A = math.exp %sub3A_29 : vector<8x8256xf32>
    %jit3A_30 = arith.constant 0.000000e+00 : f32
    %broadcast_in_dim3A_31 = vector.broadcast %jit3A_30 : f32 to vector<8x8256xf32>
    %select_n3A_32 = arith.select %ge3A_27, %exp3A, %broadcast_in_dim3A_31 : vector<8x8256xi1>, vector<8x8256xf32>
    %reduce_sum3A_33 = arith.constant dense<0.000000e+00> : vector<8xf32>
    %reduce_sum3A_34 = vector.multi_reduction <add>, %select_n3A_32, %reduce_sum3A_33 [1] : vector<8x8256xf32> to vector<8xf32>
    %broadcast_in_dim3A_35 = vector.shape_cast %reduce_sum3A_34 : vector<8xf32> to vector<8x1xf32>
    %swap3A_36 = arith.constant 0 : index
    %swap3A_37 = arith.constant 0 : index
    %swap3A_38 = vector.load %arg5[%swap3A_36, %swap3A_37] : memref<8x1xf32, #tpu.memory_space<vmem>>, vector<8x1xf32>
    tpu.vector_store %arg5[%swap3A_36, %swap3A_37], %broadcast_in_dim3A_35 {strides = array<i32>} : memref<8x1xf32, #tpu.memory_space<vmem>>, vector<8x1xf32>,
    %iota3A_39 = tpu.iota {dimensions = array<i32: 0>} : vector<8x8256xi32>
    %mul3A = arith.constant 1000000 : i32
    %mul3A_40 = vector.broadcast %mul3A : i32 to vector<8x8256xi32>
    %mul3A_41 = arith.muli %iota3A_39, %mul3A_40 : vector<8x8256xi32>
    %add3A = arith.addi %mul3A_41, %get3A_4 : vector<8x8256xi32>
    %xor3A = arith.constant 466688986 : i32
    %xor3A_42 = arith.constant 0 : i32
    %xor3A_43 = arith.xori %xor3A, %xor3A_42 : i32
    %xor3A_44 = arith.constant 42 : i32
    %xor3A_45 = arith.xori %xor3A_43, %xor3A_44 : i32
    %broadcast_in_dim3A_46 = arith.constant 0 : i32
    %broadcast_in_dim3A_47 = vector.broadcast %broadcast_in_dim3A_46 : i32 to vector<8x8256xi32>
    %add3A_48 = arith.constant 0 : i32
    %add3A_49 = vector.broadcast %add3A_48 : i32 to vector<8x8256xi32>
    %add3A_50 = arith.addi %broadcast_in_dim3A_47, %add3A_49 : vector<8x8256xi32>
    %add3A_51 = arith.constant 42 : i32
    %add3A_52 = vector.broadcast %add3A_51 : i32 to vector<8x8256xi32>
    %add3A_53 = arith.addi %add3A, %add3A_52 : vector<8x8256xi32>
    %add3A_54 = arith.addi %add3A_50, %add3A_53 : vector<8x8256xi32>
    %shift_left3A = arith.constant 13 : i32
    %shift_left3A_55 = vector.broadcast %shift_left3A : i32 to vector<8x8256xi32>
    %shift_left3A_56 = arith.shli %add3A_53, %shift_left3A_55 : vector<8x8256xi32>
    %shift_right_logical3A = arith.constant 19 : i32
    %shift_right_logical3A_57 = vector.broadcast %shift_right_logical3A : i32 to vector<8x8256xi32>
    %shift_right_logical3A_58 = arith.shrui %add3A_53, %shift_right_logical3A_57 : vector<8x8256xi32>
    %or3A = arith.ori %shift_left3A_56, %shift_right_logical3A_58 : vector<8x8256xi32>
    %xor3A_59 = arith.xori %or3A, %add3A_54 : vector<8x8256xi32>
    %add3A_60 = arith.addi %add3A_54, %xor3A_59 : vector<8x8256xi32>
    %shift_left3A_61 = arith.constant 15 : i32
    %shift_left3A_62 = vector.broadcast %shift_left3A_61 : i32 to vector<8x8256xi32>
    %shift_left3A_63 = arith.shli %xor3A_59, %shift_left3A_62 : vector<8x8256xi32>
    %shift_right_logical3A_64 = arith.constant 17 : i32
    %shift_right_logical3A_65 = vector.broadcast %shift_right_logical3A_64 : i32 to vector<8x8256xi32>
    %shift_right_logical3A_66 = arith.shrui %xor3A_59, %shift_right_logical3A_65 : vector<8x8256xi32>
    %or3A_67 = arith.ori %shift_left3A_63, %shift_right_logical3A_66 : vector<8x8256xi32>
    %xor3A_68 = arith.xori %or3A_67, %add3A_60 : vector<8x8256xi32>
    %add3A_69 = arith.addi %add3A_60, %xor3A_68 : vector<8x8256xi32>
    %shift_left3A_70 = arith.constant 26 : i32
    %shift_left3A_71 = vector.broadcast %shift_left3A_70 : i32 to vector<8x8256xi32>
    %shift_left3A_72 = arith.shli %xor3A_68, %shift_left3A_71 : vector<8x8256xi32>
    %shift_right_logical3A_73 = arith.constant 6 : i32
    %shift_right_logical3A_74 = vector.broadcast %shift_right_logical3A_73 : i32 to vector<8x8256xi32>
    %shift_right_logical3A_75 = arith.shrui %xor3A_68, %shift_right_logical3A_74 : vector<8x8256xi32>
    %or3A_76 = arith.ori %shift_left3A_72, %shift_right_logical3A_75 : vector<8x8256xi32>
    %xor3A_77 = arith.xori %or3A_76, %add3A_69 : vector<8x8256xi32>
    %add3A_78 = arith.addi %add3A_69, %xor3A_77 : vector<8x8256xi32>
    %shift_left3A_79 = arith.constant 6 : i32
    %shift_left3A_80 = vector.broadcast %shift_left3A_79 : i32 to vector<8x8256xi32>
    %shift_left3A_81 = arith.shli %xor3A_77, %shift_left3A_80 : vector<8x8256xi32>
    %shift_right_logical3A_82 = arith.constant 26 : i32
    %shift_right_logical3A_83 = vector.broadcast %shift_right_logical3A_82 : i32 to vector<8x8256xi32>
    %shift_right_logical3A_84 = arith.shrui %xor3A_77, %shift_right_logical3A_83 : vector<8x8256xi32>
    %or3A_85 = arith.ori %shift_left3A_81, %shift_right_logical3A_84 : vector<8x8256xi32>
    %xor3A_86 = arith.xori %or3A_85, %add3A_78 : vector<8x8256xi32>
    %add3A_87 = arith.constant 42 : i32
    %add3A_88 = vector.broadcast %add3A_87 : i32 to vector<8x8256xi32>
    %add3A_89 = arith.addi %add3A_78, %add3A_88 : vector<8x8256xi32>
    %add3A_90 = vector.broadcast %xor3A_45 : i32 to vector<8x8256xi32>
    %add3A_91 = arith.addi %xor3A_86, %add3A_90 : vector<8x8256xi32>
    %add3A_92 = arith.constant 1 : i32
    %add3A_93 = vector.broadcast %add3A_92 : i32 to vector<8x8256xi32>
    %add3A_94 = arith.addi %add3A_91, %add3A_93 : vector<8x8256xi32>
    %add3A_95 = arith.addi %add3A_89, %add3A_94 : vector<8x8256xi32>
    %shift_left3A_96 = arith.constant 17 : i32
    %shift_left3A_97 = vector.broadcast %shift_left3A_96 : i32 to vector<8x8256xi32>
    %shift_left3A_98 = arith.shli %add3A_94, %shift_left3A_97 : vector<8x8256xi32>
    %shift_right_logical3A_99 = arith.constant 15 : i32
    %shift_right_logical3A_100 = vector.broadcast %shift_right_logical3A_99 : i32 to vector<8x8256xi32>
    %shift_right_logical3A_101 = arith.shrui %add3A_94, %shift_right_logical3A_100 : vector<8x8256xi32>
    %or3A_102 = arith.ori %shift_left3A_98, %shift_right_logical3A_101 : vector<8x8256xi32>
    %xor3A_103 = arith.xori %or3A_102, %add3A_95 : vector<8x8256xi32>
    %add3A_104 = arith.addi %add3A_95, %xor3A_103 : vector<8x8256xi32>
    %shift_left3A_105 = arith.constant 29 : i32
    %shift_left3A_106 = vector.broadcast %shift_left3A_105 : i32 to vector<8x8256xi32>
    %shift_left3A_107 = arith.shli %xor3A_103, %shift_left3A_106 : vector<8x8256xi32>
    %shift_right_logical3A_108 = arith.constant 3 : i32
    %shift_right_logical3A_109 = vector.broadcast %shift_right_logical3A_108 : i32 to vector<8x8256xi32>
    %shift_right_logical3A_110 = arith.shrui %xor3A_103, %shift_right_logical3A_109 : vector<8x8256xi32>
    %or3A_111 = arith.ori %shift_left3A_107, %shift_right_logical3A_110 : vector<8x8256xi32>
    %xor3A_112 = arith.xori %or3A_111, %add3A_104 : vector<8x8256xi32>
    %add3A_113 = arith.addi %add3A_104, %xor3A_112 : vector<8x8256xi32>
    %shift_left3A_114 = arith.constant 16 : i32
    %shift_left3A_115 = vector.broadcast %shift_left3A_114 : i32 to vector<8x8256xi32>
    %shift_left3A_116 = arith.shli %xor3A_112, %shift_left3A_115 : vector<8x8256xi32>
    %shift_right_logical3A_117 = arith.constant 16 : i32
    %shift_right_logical3A_118 = vector.broadcast %shift_right_logical3A_117 : i32 to vector<8x8256xi32>
    %shift_right_logical3A_119 = arith.shrui %xor3A_112, %shift_right_logical3A_118 : vector<8x8256xi32>
    %or3A_120 = arith.ori %shift_left3A_116, %shift_right_logical3A_119 : vector<8x8256xi32>
    %xor3A_121 = arith.xori %or3A_120, %add3A_113 : vector<8x8256xi32>
    %add3A_122 = arith.addi %add3A_113, %xor3A_121 : vector<8x8256xi32>
    %shift_left3A_123 = arith.constant 24 : i32
    %shift_left3A_124 = vector.broadcast %shift_left3A_123 : i32 to vector<8x8256xi32>
    %shift_left3A_125 = arith.shli %xor3A_121, %shift_left3A_124 : vector<8x8256xi32>
    %shift_right_logical3A_126 = arith.constant 8 : i32
    %shift_right_logical3A_127 = vector.broadcast %shift_right_logical3A_126 : i32 to vector<8x8256xi32>
    %shift_right_logical3A_128 = arith.shrui %xor3A_121, %shift_right_logical3A_127 : vector<8x8256xi32>
    %or3A_129 = arith.ori %shift_left3A_125, %shift_right_logical3A_128 : vector<8x8256xi32>
    %xor3A_130 = arith.xori %or3A_129, %add3A_122 : vector<8x8256xi32>
    %add3A_131 = vector.broadcast %xor3A_45 : i32 to vector<8x8256xi32>
    %add3A_132 = arith.addi %add3A_122, %add3A_131 : vector<8x8256xi32>
    %add3A_133 = arith.constant 0 : i32
    %add3A_134 = vector.broadcast %add3A_133 : i32 to vector<8x8256xi32>
    %add3A_135 = arith.addi %xor3A_130, %add3A_134 : vector<8x8256xi32>
    %add3A_136 = arith.constant 2 : i32
    %add3A_137 = vector.broadcast %add3A_136 : i32 to vector<8x8256xi32>
    %add3A_138 = arith.addi %add3A_135, %add3A_137 : vector<8x8256xi32>
    %add3A_139 = arith.addi %add3A_132, %add3A_138 : vector<8x8256xi32>
    %shift_left3A_140 = arith.constant 13 : i32
    %shift_left3A_141 = vector.broadcast %shift_left3A_140 : i32 to vector<8x8256xi32>
    %shift_left3A_142 = arith.shli %add3A_138, %shift_left3A_141 : vector<8x8256xi32>
    %shift_right_logical3A_143 = arith.constant 19 : i32
    %shift_right_logical3A_144 = vector.broadcast %shift_right_logical3A_143 : i32 to vector<8x8256xi32>
    %shift_right_logical3A_145 = arith.shrui %add3A_138, %shift_right_logical3A_144 : vector<8x8256xi32>
    %or3A_146 = arith.ori %shift_left3A_142, %shift_right_logical3A_145 : vector<8x8256xi32>
    %xor3A_147 = arith.xori %or3A_146, %add3A_139 : vector<8x8256xi32>
    %add3A_148 = arith.addi %add3A_139, %xor3A_147 : vector<8x8256xi32>
    %shift_left3A_149 = arith.constant 15 : i32
    %shift_left3A_150 = vector.broadcast %shift_left3A_149 : i32 to vector<8x8256xi32>
    %shift_left3A_151 = arith.shli %xor3A_147, %shift_left3A_150 : vector<8x8256xi32>
    %shift_right_logical3A_152 = arith.constant 17 : i32
    %shift_right_logical3A_153 = vector.broadcast %shift_right_logical3A_152 : i32 to vector<8x8256xi32>
    %shift_right_logical3A_154 = arith.shrui %xor3A_147, %shift_right_logical3A_153 : vector<8x8256xi32>
    %or3A_155 = arith.ori %shift_left3A_151, %shift_right_logical3A_154 : vector<8x8256xi32>
    %xor3A_156 = arith.xori %or3A_155, %add3A_148 : vector<8x8256xi32>
    %add3A_157 = arith.addi %add3A_148, %xor3A_156 : vector<8x8256xi32>
    %shift_left3A_158 = arith.constant 26 : i32
    %shift_left3A_159 = vector.broadcast %shift_left3A_158 : i32 to vector<8x8256xi32>
    %shift_left3A_160 = arith.shli %xor3A_156, %shift_left3A_159 : vector<8x8256xi32>
    %shift_right_logical3A_161 = arith.constant 6 : i32
    %shift_right_logical3A_162 = vector.broadcast %shift_right_logical3A_161 : i32 to vector<8x8256xi32>
    %shift_right_logical3A_163 = arith.shrui %xor3A_156, %shift_right_logical3A_162 : vector<8x8256xi32>
    %or3A_164 = arith.ori %shift_left3A_160, %shift_right_logical3A_163 : vector<8x8256xi32>
    %xor3A_165 = arith.xori %or3A_164, %add3A_157 : vector<8x8256xi32>
    %add3A_166 = arith.addi %add3A_157, %xor3A_165 : vector<8x8256xi32>
    %shift_left3A_167 = arith.constant 6 : i32
    %shift_left3A_168 = vector.broadcast %shift_left3A_167 : i32 to vector<8x8256xi32>
    %shift_left3A_169 = arith.shli %xor3A_165, %shift_left3A_168 : vector<8x8256xi32>
    %shift_right_logical3A_170 = arith.constant 26 : i32
    %shift_right_logical3A_171 = vector.broadcast %shift_right_logical3A_170 : i32 to vector<8x8256xi32>
    %shift_right_logical3A_172 = arith.shrui %xor3A_165, %shift_right_logical3A_171 : vector<8x8256xi32>
    %or3A_173 = arith.ori %shift_left3A_169, %shift_right_logical3A_172 : vector<8x8256xi32>
    %xor3A_174 = arith.xori %or3A_173, %add3A_166 : vector<8x8256xi32>
    %add3A_175 = arith.constant 0 : i32
    %add3A_176 = vector.broadcast %add3A_175 : i32 to vector<8x8256xi32>
    %add3A_177 = arith.addi %add3A_166, %add3A_176 : vector<8x8256xi32>
    %add3A_178 = arith.constant 42 : i32
    %add3A_179 = vector.broadcast %add3A_178 : i32 to vector<8x8256xi32>
    %add3A_180 = arith.addi %xor3A_174, %add3A_179 : vector<8x8256xi32>
    %add3A_181 = arith.constant 3 : i32
    %add3A_182 = vector.broadcast %add3A_181 : i32 to vector<8x8256xi32>
    %add3A_183 = arith.addi %add3A_180, %add3A_182 : vector<8x8256xi32>
    %add3A_184 = arith.addi %add3A_177, %add3A_183 : vector<8x8256xi32>
    %shift_left3A_185 = arith.constant 17 : i32
    %shift_left3A_186 = vector.broadcast %shift_left3A_185 : i32 to vector<8x8256xi32>
    %shift_left3A_187 = arith.shli %add3A_183, %shift_left3A_186 : vector<8x8256xi32>
    %shift_right_logical3A_188 = arith.constant 15 : i32
    %shift_right_logical3A_189 = vector.broadcast %shift_right_logical3A_188 : i32 to vector<8x8256xi32>
    %shift_right_logical3A_190 = arith.shrui %add3A_183, %shift_right_logical3A_189 : vector<8x8256xi32>
    %or3A_191 = arith.ori %shift_left3A_187, %shift_right_logical3A_190 : vector<8x8256xi32>
    %xor3A_192 = arith.xori %or3A_191, %add3A_184 : vector<8x8256xi32>
    %add3A_193 = arith.addi %add3A_184, %xor3A_192 : vector<8x8256xi32>
    %shift_left3A_194 = arith.constant 29 : i32
    %shift_left3A_195 = vector.broadcast %shift_left3A_194 : i32 to vector<8x8256xi32>
    %shift_left3A_196 = arith.shli %xor3A_192, %shift_left3A_195 : vector<8x8256xi32>
    %shift_right_logical3A_197 = arith.constant 3 : i32
    %shift_right_logical3A_198 = vector.broadcast %shift_right_logical3A_197 : i32 to vector<8x8256xi32>
    %shift_right_logical3A_199 = arith.shrui %xor3A_192, %shift_right_logical3A_198 : vector<8x8256xi32>
    %or3A_200 = arith.ori %shift_left3A_196, %shift_right_logical3A_199 : vector<8x8256xi32>
    %xor3A_201 = arith.xori %or3A_200, %add3A_193 : vector<8x8256xi32>
    %add3A_202 = arith.addi %add3A_193, %xor3A_201 : vector<8x8256xi32>
    %shift_left3A_203 = arith.constant 16 : i32
    %shift_left3A_204 = vector.broadcast %shift_left3A_203 : i32 to vector<8x8256xi32>
    %shift_left3A_205 = arith.shli %xor3A_201, %shift_left3A_204 : vector<8x8256xi32>
    %shift_right_logical3A_206 = arith.constant 16 : i32
    %shift_right_logical3A_207 = vector.broadcast %shift_right_logical3A_206 : i32 to vector<8x8256xi32>
    %shift_right_logical3A_208 = arith.shrui %xor3A_201, %shift_right_logical3A_207 : vector<8x8256xi32>
    %or3A_209 = arith.ori %shift_left3A_205, %shift_right_logical3A_208 : vector<8x8256xi32>
    %xor3A_210 = arith.xori %or3A_209, %add3A_202 : vector<8x8256xi32>
    %add3A_211 = arith.addi %add3A_202, %xor3A_210 : vector<8x8256xi32>
    %shift_left3A_212 = arith.constant 24 : i32
    %shift_left3A_213 = vector.broadcast %shift_left3A_212 : i32 to vector<8x8256xi32>
    %shift_left3A_214 = arith.shli %xor3A_210, %shift_left3A_213 : vector<8x8256xi32>
    %shift_right_logical3A_215 = arith.constant 8 : i32
    %shift_right_logical3A_216 = vector.broadcast %shift_right_logical3A_215 : i32 to vector<8x8256xi32>
    %shift_right_logical3A_217 = arith.shrui %xor3A_210, %shift_right_logical3A_216 : vector<8x8256xi32>
    %or3A_218 = arith.ori %shift_left3A_214, %shift_right_logical3A_217 : vector<8x8256xi32>
    %xor3A_219 = arith.xori %or3A_218, %add3A_211 : vector<8x8256xi32>
    %add3A_220 = arith.constant 42 : i32
    %add3A_221 = vector.broadcast %add3A_220 : i32 to vector<8x8256xi32>
    %add3A_222 = arith.addi %add3A_211, %add3A_221 : vector<8x8256xi32>
    %add3A_223 = vector.broadcast %xor3A_45 : i32 to vector<8x8256xi32>
    %add3A_224 = arith.addi %xor3A_219, %add3A_223 : vector<8x8256xi32>
    %add3A_225 = arith.constant 4 : i32
    %add3A_226 = vector.broadcast %add3A_225 : i32 to vector<8x8256xi32>
    %add3A_227 = arith.addi %add3A_224, %add3A_226 : vector<8x8256xi32>
    %add3A_228 = arith.addi %add3A_222, %add3A_227 : vector<8x8256xi32>
    %shift_left3A_229 = arith.constant 13 : i32
    %shift_left3A_230 = vector.broadcast %shift_left3A_229 : i32 to vector<8x8256xi32>
    %shift_left3A_231 = arith.shli %add3A_227, %shift_left3A_230 : vector<8x8256xi32>
    %shift_right_logical3A_232 = arith.constant 19 : i32
    %shift_right_logical3A_233 = vector.broadcast %shift_right_logical3A_232 : i32 to vector<8x8256xi32>
    %shift_right_logical3A_234 = arith.shrui %add3A_227, %shift_right_logical3A_233 : vector<8x8256xi32>
    %or3A_235 = arith.ori %shift_left3A_231, %shift_right_logical3A_234 : vector<8x8256xi32>
    %xor3A_236 = arith.xori %or3A_235, %add3A_228 : vector<8x8256xi32>
    %add3A_237 = arith.addi %add3A_228, %xor3A_236 : vector<8x8256xi32>
    %shift_left3A_238 = arith.constant 15 : i32
    %shift_left3A_239 = vector.broadcast %shift_left3A_238 : i32 to vector<8x8256xi32>
    %shift_left3A_240 = arith.shli %xor3A_236, %shift_left3A_239 : vector<8x8256xi32>
    %shift_right_logical3A_241 = arith.constant 17 : i32
    %shift_right_logical3A_242 = vector.broadcast %shift_right_logical3A_241 : i32 to vector<8x8256xi32>
    %shift_right_logical3A_243 = arith.shrui %xor3A_236, %shift_right_logical3A_242 : vector<8x8256xi32>
    %or3A_244 = arith.ori %shift_left3A_240, %shift_right_logical3A_243 : vector<8x8256xi32>
    %xor3A_245 = arith.xori %or3A_244, %add3A_237 : vector<8x8256xi32>
    %add3A_246 = arith.addi %add3A_237, %xor3A_245 : vector<8x8256xi32>
    %shift_left3A_247 = arith.constant 26 : i32
    %shift_left3A_248 = vector.broadcast %shift_left3A_247 : i32 to vector<8x8256xi32>
    %shift_left3A_249 = arith.shli %xor3A_245, %shift_left3A_248 : vector<8x8256xi32>
    %shift_right_logical3A_250 = arith.constant 6 : i32
    %shift_right_logical3A_251 = vector.broadcast %shift_right_logical3A_250 : i32 to vector<8x8256xi32>
    %shift_right_logical3A_252 = arith.shrui %xor3A_245, %shift_right_logical3A_251 : vector<8x8256xi32>
    %or3A_253 = arith.ori %shift_left3A_249, %shift_right_logical3A_252 : vector<8x8256xi32>
    %xor3A_254 = arith.xori %or3A_253, %add3A_246 : vector<8x8256xi32>
    %add3A_255 = arith.addi %add3A_246, %xor3A_254 : vector<8x8256xi32>
    %shift_left3A_256 = arith.constant 6 : i32
    %shift_left3A_257 = vector.broadcast %shift_left3A_256 : i32 to vector<8x8256xi32>
    %shift_left3A_258 = arith.shli %xor3A_254, %shift_left3A_257 : vector<8x8256xi32>
    %shift_right_logical3A_259 = arith.constant 26 : i32
    %shift_right_logical3A_260 = vector.broadcast %shift_right_logical3A_259 : i32 to vector<8x8256xi32>
    %shift_right_logical3A_261 = arith.shrui %xor3A_254, %shift_right_logical3A_260 : vector<8x8256xi32>
    %or3A_262 = arith.ori %shift_left3A_258, %shift_right_logical3A_261 : vector<8x8256xi32>
    %xor3A_263 = arith.xori %or3A_262, %add3A_255 : vector<8x8256xi32>
    %add3A_264 = vector.broadcast %xor3A_45 : i32 to vector<8x8256xi32>
    %add3A_265 = arith.addi %add3A_255, %add3A_264 : vector<8x8256xi32>
    %add3A_266 = arith.constant 0 : i32
    %add3A_267 = vector.broadcast %add3A_266 : i32 to vector<8x8256xi32>
    %add3A_268 = arith.addi %xor3A_263, %add3A_267 : vector<8x8256xi32>
    %add3A_269 = arith.constant 5 : i32
    %add3A_270 = vector.broadcast %add3A_269 : i32 to vector<8x8256xi32>
    %add3A_271 = arith.addi %add3A_268, %add3A_270 : vector<8x8256xi32>
    %xor3A_272 = arith.xori %add3A_265, %add3A_271 : vector<8x8256xi32>
    %shift_right_logical3A_273 = arith.constant 9 : i32
    %shift_right_logical3A_274 = vector.broadcast %shift_right_logical3A_273 : i32 to vector<8x8256xi32>
    %shift_right_logical3A_275 = arith.shrui %xor3A_272, %shift_right_logical3A_274 : vector<8x8256xi32>
    %or3A_276 = arith.constant 1065353216 : i32
    %or3A_277 = vector.broadcast %or3A_276 : i32 to vector<8x8256xi32>
    %or3A_278 = arith.ori %shift_right_logical3A_275, %or3A_277 : vector<8x8256xi32>
    %bitcast_convert_type3A = tpu.bitcast %or3A_278 : vector<8x8256xi32> -> vector<8x8256xf32>
    %sub3A_279 = arith.constant 1.000000e+00 : f32
    %sub3A_280 = vector.broadcast %sub3A_279 : f32 to vector<8x8256xf32>
    %sub3A_281 = arith.subf %bitcast_convert_type3A, %sub3A_280 : vector<8x8256xf32>
    %sub3A_282 = arith.constant 1.000000e+00 : f32
    %sub3A_283 = arith.constant 1.17549435E-38 : f32
    %sub3A_284 = arith.subf %sub3A_282, %sub3A_283 : f32
    %mul3A_285 = vector.broadcast %sub3A_284 : f32 to vector<8x8256xf32>
    %mul3A_286 = arith.mulf %sub3A_281, %mul3A_285 : vector<8x8256xf32>
    %add3A_287 = arith.constant 1.17549435E-38 : f32
    %add3A_288 = vector.broadcast %add3A_287 : f32 to vector<8x8256xf32>
    %add3A_289 = arith.addf %mul3A_286, %add3A_288 : vector<8x8256xf32>
    %max3A = arith.constant 1.17549435E-38 : f32
    %max3A_290 = vector.broadcast %max3A : f32 to vector<8x8256xf32>
    %max3A_291 = arith.maximumf %max3A_290, %add3A_289 : vector<8x8256xf32>
    %log3A = math.log %max3A_291 : vector<8x8256xf32>
    %neg3A = arith.constant 0.000000e+00 : f32
    %neg3A_292 = vector.broadcast %neg3A : f32 to vector<8x8256xf32>
    %neg3A_293 = arith.subf %neg3A_292, %log3A : vector<8x8256xf32>
    %log3A_294 = math.log %neg3A_293 : vector<8x8256xf32>
    %neg3A_295 = arith.constant 0.000000e+00 : f32
    %neg3A_296 = vector.broadcast %neg3A_295 : f32 to vector<8x8256xf32>
    %neg3A_297 = arith.subf %neg3A_296, %log3A_294 : vector<8x8256xf32>
    %add3A_298 = arith.addf %get3A_1, %neg3A_297 : vector<8x8256xf32>
    %jit3A_299 = arith.constant 0xFF800000 : f32
    %broadcast_in_dim3A_300 = vector.broadcast %jit3A_299 : f32 to vector<8x8256xf32>
    %select_n3A_301 = arith.select %ge3A_27, %add3A_298, %broadcast_in_dim3A_300 : vector<8x8256xi1>, vector<8x8256xf32>
    %reduce_max3A_302 = arith.constant dense<0xFF800000> : vector<8xf32>
    %reduce_max3A_303 = vector.multi_reduction <maximumf>, %select_n3A_301, %reduce_max3A_302 [1] : vector<8x8256xf32> to vector<8xf32>
    %broadcast_in_dim3A_304 = vector.shape_cast %reduce_max3A_303 : vector<8xf32> to vector<8x1xf32>
    %eq3A_305 = vector.broadcast %broadcast_in_dim3A_304 : vector<8x1xf32> to vector<8x8256xf32>
    %eq3A_306 = arith.cmpf oeq, %select_n3A_301, %eq3A_305 : vector<8x8256xf32>
    %jit3A_307 = arith.constant 1000000 : i32
    %broadcast_in_dim3A_308 = vector.broadcast %jit3A_307 : i32 to vector<8x8256xi32>
    %select_n3A_309 = arith.select %eq3A_306, %get3A_4, %broadcast_in_dim3A_308 : vector<8x8256xi1>, vector<8x8256xi32>
    %reduce_min3A = arith.constant dense<2147483647> : vector<8xi32>
    %reduce_min3A_310 = vector.multi_reduction <minsi>, %select_n3A_309, %reduce_min3A [1] : vector<8x8256xi32> to vector<8xi32>
    %broadcast_in_dim3A_311 = vector.shape_cast %reduce_min3A_310 : vector<8xi32> to vector<8x1xi32>
    %swap3A_312 = arith.constant 0 : index
    %swap3A_313 = arith.constant 0 : index
    %swap3A_314 = vector.load %arg6[%swap3A_312, %swap3A_313] : memref<8x1xi32, #tpu.memory_space<vmem>>, vector<8x1xi32>
    tpu.vector_store %arg6[%swap3A_312, %swap3A_313], %broadcast_in_dim3A_311 {strides = array<i32>} : memref<8x1xi32, #tpu.memory_space<vmem>>, vector<8x1xi32>,
    return
  }
}

module attributes {stable_mosaic.version = 14 : i64} {
  func.func @_probs_body(%arg0: i32, %arg1: memref<8x16384xf32, #tpu.memory_space<vmem>>, %arg2: memref<8x1xf32, #tpu.memory_space<vmem>>, %arg3: memref<8x1xf32, #tpu.memory_space<vmem>>, %arg4: memref<8x1xf32, #tpu.memory_space<vmem>>, %arg5: memref<8x16384xf32, #tpu.memory_space<vmem>>) attributes {dimension_semantics = [#tpu.dimension_semantics<arbitrary>], iteration_bounds = array<i64: 62>, scalar_prefetch = 0 : i64, scratch_operands = 0 : i64, tpu.core_type = #tpu.core_type<tc>, window_params = [{transform_indices = @transform_0, window_bounds = array<i64: 8, 16384>}, {pipeline_mode = #tpu.pipeline_mode<synchronous>, transform_indices = @transform_1, window_bounds = array<i64: 8, 1>}, {pipeline_mode = #tpu.pipeline_mode<synchronous>, transform_indices = @transform_2, window_bounds = array<i64: 8, 1>}, {pipeline_mode = #tpu.pipeline_mode<synchronous>, transform_indices = @transform_3, window_bounds = array<i64: 8, 1>}, {transform_indices = @transform_4, window_bounds = array<i64: 8, 16384>}]} {
    %get3A = arith.constant 0 : index
    %get3A_0 = arith.constant 0 : index
    %get3A_1 = vector.load %arg1[%get3A, %get3A_0] : memref<8x16384xf32, #tpu.memory_space<vmem>>, vector<8x16384xf32>
    %get3A_2 = arith.constant 0 : index
    %get3A_3 = arith.constant 0 : index
    %get3A_4 = vector.load %arg2[%get3A_2, %get3A_3] : memref<8x1xf32, #tpu.memory_space<vmem>>, vector<8x1xf32>
    %ge3A = vector.broadcast %get3A_4 : vector<8x1xf32> to vector<8x16384xf32>
    %ge3A_5 = arith.cmpf oge, %get3A_1, %ge3A : vector<8x16384xf32>
    %get3A_6 = arith.constant 0 : index
    %get3A_7 = arith.constant 0 : index
    %get3A_8 = vector.load %arg3[%get3A_6, %get3A_7] : memref<8x1xf32, #tpu.memory_space<vmem>>, vector<8x1xf32>
    %sub3A = vector.broadcast %get3A_8 : vector<8x1xf32> to vector<8x16384xf32>
    %sub3A_9 = arith.subf %get3A_1, %sub3A : vector<8x16384xf32>
    %exp3A = math.exp %sub3A_9 : vector<8x16384xf32>
    %jit3A = arith.constant 0.000000e+00 : f32
    %broadcast_in_dim3A = vector.broadcast %jit3A : f32 to vector<8x16384xf32>
    %select_n3A = arith.select %ge3A_5, %exp3A, %broadcast_in_dim3A : vector<8x16384xi1>, vector<8x16384xf32>
    %get3A_10 = arith.constant 0 : index
    %get3A_11 = arith.constant 0 : index
    %get3A_12 = vector.load %arg4[%get3A_10, %get3A_11] : memref<8x1xf32, #tpu.memory_space<vmem>>, vector<8x1xf32>
    %div3A = vector.broadcast %get3A_12 : vector<8x1xf32> to vector<8x16384xf32>
    %div3A_13 = arith.divf %select_n3A, %div3A : vector<8x16384xf32>
    %swap3A = arith.constant 0 : index
    %swap3A_14 = arith.constant 0 : index
    %swap3A_15 = vector.load %arg5[%swap3A, %swap3A_14] : memref<8x16384xf32, #tpu.memory_space<vmem>>, vector<8x16384xf32>
    tpu.vector_store %arg5[%swap3A, %swap3A_14], %div3A_13 {strides = array<i32>} : memref<8x16384xf32, #tpu.memory_space<vmem>>, vector<8x16384xf32>,
    return
  }
  func.func @transform_0(%arg0: i32) -> (i32, i32) {
    %c0_i32 = arith.constant 0 : i32
    %c0_i32_0 = arith.constant 0 : i32
    return %c0_i32, %arg0 : i32, i32
  }
  func.func @transform_1(%arg0: i32) -> (i32, i32) {
    %c0_i32 = arith.constant 0 : i32
    %c0_i32_0 = arith.constant 0 : i32
    %c0_i32_1 = arith.constant 0 : i32
    return %c0_i32, %c0_i32_0 : i32, i32
  }
  func.func @transform_2(%arg0: i32) -> (i32, i32) {
    %c0_i32 = arith.constant 0 : i32
    %c0_i32_0 = arith.constant 0 : i32
    %c0_i32_1 = arith.constant 0 : i32
    return %c0_i32, %c0_i32_0 : i32, i32
  }
  func.func @transform_3(%arg0: i32) -> (i32, i32) {
    %c0_i32 = arith.constant 0 : i32
    %c0_i32_0 = arith.constant 0 : i32
    %c0_i32_1 = arith.constant 0 : i32
    return %c0_i32, %c0_i32_0 : i32, i32
  }
  func.func @transform_4(%arg0: i32) -> (i32, i32) {
    %c0_i32 = arith.constant 0 : i32
    %c0_i32_0 = arith.constant 0 : i32
    return %c0_i32, %arg0 : i32, i32
  }
}

</mosaic_0001>

<sc_bundles>
// kernel: gather_offload_async_start
scs
__scs_entry_jumppad:
0x0: {  	(pc) =	sbr.rel $0x88, $3  }
0x1: {  	(tag) =	ssettag $0x0;
	lr =	simm.s32 $0x1  }
0x2: {  	[smem:$0x3F9F] =	sst lr;
	_ =	strace $0xD0000000  }
0x3: {  	_ = 	snop  }
0x4: {  	_ = 	snop  }
0x5: {  	_ = 	snop  }
0x6: {  	_ = 	snop  }
0x7: {  	_ = 	snop  }
__scs_overlays_trampoline_lowered:
0x8: {  	[smem:$0x3FAE] =	sst s0  }
0x9: {  	[smem:$0x3FAF] =	sst s1  }
0xa: {  	[smem:$0x3FB0] =	sst s2  }
0xb: {  	[smem:$0x3FB1] =	sst s3  }
0xc: {  	[smem:$0x3FB2] =	sst s4  }
0xd: {  	[smem:$0x3FB3] =	sst s5  }
0xe: {  	[smem:$0x3FB4] =	sst s6  }
0xf: {  	[smem:$0x3FB5] =	sst s7  }
0x10: {  	[smem:$0x3FB6] =	sst s8  }
0x11: {  	[smem:$0x3FB7] =	sst s9;
	s0 =	simm.s32 @!p0 $0x0  }
0x12: {  	s1 =	sld [smem:$0x3F9D];
	s0 =	simm.s32 @p0 $0x1  }
0x13: {  	[smem:$0x3FB8] =	sst s0;
	s0 =	simm.s32 @!p1 $0x0  }
0x14: {  	s2 =	sld [smem:$0x3F9C];
	s0 =	simm.s32 @p1 $0x1  }
0x15: {  	[smem:$0x3FB9] =	sst s0;
	s0 =	simm.s32 @!p2 $0x0  }
0x16: {  	s3 =	sld [smem:$0x3FDB];
	s0 =	simm.s32 @p2 $0x1  }
0x17: {  	s4 =	simm.s32 $0x1BF5;
	[smem:$0x3FBB] =	sst s0  }
0x18: {  	s0 =	sld [smem:$0x3F9E];
	_ =	swait.ge [sflag:s4], $0x0  }
0x19: {  	s7 =	sld [smem:$0x3F9F]  }
0x1a: {  	s8 =	sadd.s32 $0xFFFFE003, lr  }
0x1b: {  	s9 =	sadd.s32 $0xFFFFFEF7, lr;
	s5 =	simm.s32 $0xFFFFFFFF;
	p2 =	slt.u32 s8, $0xFFFFF086  }
0x1c: {  	p1 =	slt.u32 s9, $0xF7A;
	s5 =	simm.s32 @!p2 $0x0  }
0x1d: {  	s5 =	simm.s32 @p1 $0x1;
	p0 =	seq.s32 s7, s2  }
0x1e: {  	s7 =	smul.u32 @!p0 $0xF7A, s2;
	p2 =	seq.s32 @!p0 s5, $0x0  }
0x1f: {  	s9 =	smul.u32 $0xF7A, s1;
	s8 =	simm.s32 @!p0 $0x1BF5;
	p2 =	por !p2, p0  }
0x20: {  	[sflag:s8] =	ssyncset.s32 @!p0 $0xFFFFF086;
	s6 =	sadd.s32 @!p0 s3, s7;
	s7 =	simm.s32 @!p0 $0x108  }
0x21: {  	s3 =	sadd.s32 s3, s9;
	s6 =	sadd.s32 @!p0 $0x88, s6;
	s7 =	simm.s32 @p2 $0x1082  }
0x22: {  	[simem:s7], [sflag:s8] =	dma.local @!p0 [hbm:s6], $0xF7A  }
0x23: {  	s9 =	sor.u32 $0xD0000000, s2;
	s6 =	simm.s32 $0x108;
	_ =	swait.ge @!p0 [sflag:s8], $0x0  }
0x24: {  	s3 =	sadd.s32 $0x88, s3;
	s6 =	simm.s32 @!p1 $0x1082;
	[sflag:s4] =	ssyncset.s32 $0xFFFFF086  }
0x25: {  	[simem:s6], [sflag:s4] =	dma.local [hbm:s3], $0xF7A  }
0x26: {  	[smem:$0x3F9F] =	sst s1;
	(tag) =	ssettag s2;
	_ =	strace s9  }
0x27: {  	s1 =	sld [smem:$0x3FAF]  }
0x28: {  	s2 =	sld [smem:$0x3FB0]  }
0x29: {  	s4 =	sld [smem:$0x3FB2]  }
0x2a: {  	p0 =	seq.s32 s5, $0x0;
	s5 =	sld [smem:$0x3FB3]  }
0x2b: {  	s6 =	sld [smem:$0x3FB4]  }
0x2c: {  	s7 =	sld [smem:$0x3FB5]  }
0x2d: {  	s3 =	simm.s32 $0x108;
	s8 =	sld [smem:$0x3FB6]  }
0x2e: {  	s3 =	simm.s32 @!p0 $0x1082;
	s9 =	sld [smem:$0x3FB7]  }
0x2f: {  	lr =	sadd.s32 s0, s3;
	s0 =	sld [smem:$0x3FAE]  }
0x30: {  	s3 =	sld [smem:$0x3FB1]  }
0x31: {  	[smem:$0x3FBA] =	sst s10  }
0x32: {  	s10 =	sld [smem:$0x3FB8];
	_ =	sdelay $0x3  }
0x33: {  	p0 =	seq.s32 s10, $0x1;
	s10 =	sld [smem:$0x3FBA];
	_ =	sdelay $0x3  }
0x34: {  	[smem:$0x3FBA] =	sst s10  }
0x35: {  	s10 =	sld [smem:$0x3FB9];
	_ =	sdelay $0x3  }
0x36: {  	p1 =	seq.s32 s10, $0x1;
	s10 =	sld [smem:$0x3FBA];
	_ =	sdelay $0x3  }
0x37: {  	[smem:$0x3FBA] =	sst s10  }
0x38: {  	s10 =	sld [smem:$0x3FBB]  }
0x39: {  	_ = 	snop;
	(pc) =	sbr.ind lr, $3  }
0x3a: {  	_ = 	snop  }
0x3b: {  	_ = 	snop  }
0x3c: {  	p2 =	seq.s32 s10, $0x1;
	s10 =	sld [smem:$0x3FBA]  }
0x3d: {  	_ =	shalt  }
0x3e: {  	_ =	shalt  }
0x3f: {  	_ =	shalt  }
0x40: {  	_ =	shalt  }
0x41: {  	_ =	shalt  }
0x42: {  	_ =	shalt  }
0x43: {  	_ =	shalt  }
0x44: {  	_ =	shalt  }
0x45: {  	_ =	shalt  }
0x46: {  	_ =	shalt  }
0x47: {  	_ =	shalt  }
0x48: {  	_ =	shalt  }
0x49: {  	_ =	shalt  }
0x4a: {  	_ =	shalt  }
0x4b: {  	_ =	shalt  }
0x4c: {  	_ =	shalt  }
0x4d: {  	_ =	shalt  }
0x4e: {  	_ =	shalt  }
0x4f: {  	_ =	shalt  }
0x50: {  	_ =	shalt  }
0x51: {  	_ =	shalt  }
0x52: {  	_ =	shalt  }
0x53: {  	_ =	shalt  }
0x54: {  	_ =	shalt  }
0x55: {  	_ =	shalt  }
0x56: {  	_ =	shalt  }
0x57: {  	_ =	shalt  }
0x58: {  	_ =	shalt  }
0x59: {  	_ =	shalt  }
0x5a: {  	_ =	shalt  }
0x5b: {  	_ =	shalt  }
0x5c: {  	_ =	shalt  }
0x5d: {  	_ =	shalt  }
0x5e: {  	_ =	shalt  }
0x5f: {  	_ =	shalt  }
0x60: {  	_ =	shalt  }
0x61: {  	_ =	shalt  }
0x62: {  	_ =	shalt  }
0x63: {  	_ =	shalt  }
0x64: {  	_ =	shalt  }
0x65: {  	_ =	shalt  }
0x66: {  	_ =	shalt  }
0x67: {  	_ =	shalt  }
0x68: {  	_ =	shalt  }
0x69: {  	_ =	shalt  }
0x6a: {  	_ =	shalt  }
0x6b: {  	_ =	shalt  }
0x6c: {  	_ =	shalt  }
0x6d: {  	_ =	shalt  }
0x6e: {  	_ =	shalt  }
0x6f: {  	_ =	shalt  }
0x70: {  	_ =	shalt  }
0x71: {  	_ =	shalt  }
0x72: {  	_ =	shalt  }
0x73: {  	_ =	shalt  }
0x74: {  	_ =	shalt  }
0x75: {  	_ =	shalt  }
0x76: {  	_ =	shalt  }
0x77: {  	_ =	shalt  }
0x78: {  	_ =	shalt  }
0x79: {  	_ =	shalt  }
0x7a: {  	_ =	shalt  }
0x7b: {  	_ =	shalt  }
0x7c: {  	_ =	shalt  }
0x7d: {  	_ =	shalt  }
0x7e: {  	_ =	shalt  }
0x7f: {  	_ =	shalt  }
0x80: {  	_ =	shalt  }
0x81: {  	_ =	shalt  }
0x82: {  	_ =	shalt  }
0x83: {  	_ =	shalt  }
0x84: {  	_ =	shalt  }
0x85: {  	_ =	shalt  }
0x86: {  	_ =	shalt  }
0x87: {  	_ =	shalt  }
.Lfunc_end0:
.L_simem_size_0:
called_computation_lowered:
.L_overlay_start_0:
0x88: {  	s2 =	sld [smem:$0x3FD9]  }
0x89: {  	s3 =	sld [smem:$0x3FFE];
	_ =	sdelay $0x1  }
0x8a: {  	s1 =	srdreg.scid  }
0x8b: {  	s0 =	sand.u32 $0x1, s1  }
0x8c: {  	s14 =	sshll.u32 s0, $0xA;
	s2 =	sadd.s32 s3, s2  }
0x8d: {  	s2 =	sadd.s32 s2, s14  }
0x8e: {  	[smem:$0x3FC6] =	sst s2  }
0x8f: {  	_ = 	snop  }
0x90: {  	s2 =	sld [smem:$0x3FD0];
	_ =	sdelay $0x2  }
0x91: {  	s15 =	simm.s32 $0xA;
	s4 =	simm.s32 $0x10  }
0x92: {  	[smem:s4], [sflag:s15] =	dma.local [hbm:s2], $0x1  }
0x93: {  	_ =	swait.eq [sflag:s15], $0x1  }
0x94: {  	[sflag:s15] =	ssyncset.done $0x0  }
0x95: {  	[sflag:s15] =	ssyncadd.s32 $0xFFFFFFFF  }
0x96: {  	s16 =	sld [smem:$0x10];
	(tm) =	ssettm $0x1  }
0x97: {  	s17 =	sld [smem:$0x3FFB];
	_ =	sdelay $0x3  }
0x98: {  	_ =	strace s17  }
0x99: {  	s3 =	sld [smem:$0x3FFC];
	_ =	sdelay $0x3  }
0x9a: {  	_ =	strace s3  }
0x9b: {  	s3 =	sld [smem:$0x3FFD];
	_ =	sdelay $0x3  }
0x9c: {  	_ =	strace s3  }
0x9d: {  	_ =	strace $0x8FFFFFFF  }
0x9e: {  	s18 =	sld [smem:$0x3FDB];
	_ =	sdelay $0x1  }
0x9f: {  	s19 =	simm.s32 $_scs_section_size  }
0xa0: {  	s5 =	simm.s32 $_size__tile_overlayer_lowered;
	s6 =	simm.s32 $_tile_overlayer_lowered  }
0xa1: {  	s22 =	simm.s32 $0x1BFF;
	s21 =	sshll.u32 s6, $0x1;
	s3 =	sadd.s32 s19, s18  }
0xa2: {  	s7 =	simm.s32 $0x0;
	s20 =	sshll.u32 s5, $0x1;
	s5 =	sadd.s32 s21, s3  }
0xa3: {  	[timem:s7], [sflag:s22] =	dma.local [hbm:s5], s20  }
0xa4: {  	_ =	swait.ge [sflag:s22], s20  }
0xa5: {  	s4 =	ssub.s32 $0x0, s20;
	[sflag:s22] =	ssyncset.done $0x0  }
0xa6: {  	[sflag:s22] =	ssyncadd.s32 s4;
	_ =	sdelay $0x1  }
0xa7: {  	s23 =	simm.s32 $0x1B8B  }
0xa8: {  	_ =	swait.ge [sflag:s23], $0x1  }
0xa9: {  	[sflag:s23] =	ssyncset.done $0x0  }
0xaa: {  	s25 =	simm.s32 $0x1B8E;
	s24 =	sld [smem:$0x3FFE];
	[sflag:s23] =	ssyncadd.s32 $0xFFFFFFFF  }
0xab: {  	s26 =	simm.s32 $execute0_lowered;
	[smem:$0x3FD2] =	sst s25  }
0xac: {  	s5 =	sshll.u32 s26, $0x1;
	_ =	strace $0x80000046;
	[dreg:$0x1] =	wrdreg $0xFFFFFFFF  }
0xad: {  	s28 =	simm.s32 $_size_execute0_lowered;
	s3 =	sadd.s32 s3, s5;
	[dreg:$0x0] =	wrdreg $0x0  }
0xae: {  	s5 =	sshll.u32 s28, $0x1;
	[dreg:$0x2] =	wrdreg s3  }
0xaf: {  	[dreg:$0x3] =	wrdreg s5  }
0xb0: {  	[dreg:$0x4] =	wrdreg $0xC0  }
0xb1: {  	_ =	task [dreg:s7], $0x5FFFF  }
0xb2: {  	[dreg:$0x1] =	wrdreg $0xFFFFFFFF  }
0xb3: {  	[dreg:$0x0] =	wrdreg $0x60  }
0xb4: {  	[dreg:$0x2] =	wrdreg s16  }
0xb5: {  	[dreg:$0x3] =	wrdreg s24  }
0xb6: {  	[dreg:$0x4] =	wrdreg $0x9  }
0xb7: {  	_ =	task.clear_ibuf [dreg:s7], $0x5FFFF;
	_ =	strace $0x90000046  }
0xb8: {  	s29 =	simm.s32 $0x9;
	_ =	strace $0x80000048  }
0xb9: {  	_ =	swait.ge [sflag:s29], $0x1  }
0xba: {  	[sflag:s29] =	ssyncadd.s32 $0xFFFFFFFF  }
0xbb: {  	_ =	strace $0x90000048  }
0xbc: {  	_ =	sfence  }
0xbd: {  	s30 =	sld [smem:$0x0];
	_ =	sdelay $0x2  }
0xbe: {  	s31 =	sshll.u32 s1, $0xD;
	s1 =	sshrl.u32 s1, $0x2  }
0xbf: {  	s3 =	sand.u32 $0x4000, s31;
	s1 =	sadd.s32 s1, s30  }
0xc0: {  	s0 =	sor.u32 s3, s0;
	s1 =	sshll.u32 s1, $0x11  }
0xc1: {  	s0 =	sor.u32 s1, s0  }
0xc2: {  	s0 =	sadd.s32 $0x8F2B, s0  }
0xc3: {  	[sflag:s0] =	ssyncadd.remote.s32 $0x1  }
0xc4: {  	_ =	sfence.sel $0xFFFF  }
0xc5: {  	[dreg:$0x0] =	wrdreg $0xFFFFFFFF;
	(pc) =	sbr.abs _section_cstart, $3  }
0xc6: {  	[dreg:$0x1] =	wrdreg $0xFFFFFFFF  }
0xc7: {  	_ =	task.clear_ibuf [dreg:s7], $0x2FFFF;
	_ =	strace $0x9FFFFFFF  }
0xc8: {  	(tm) =	ssettm $0x7FFFFFFF  }
0xc9: {  	_ =	shalt  }
tec
execute0_lowered:
.L_overlay_start_1:
0x0: {  	(tag) =	ssettag $0x1  }
0x1: {  	s1 =	srdreg.scid;
	s2 =	rddreg [dreg:$0x0]  }
0x2: {  	s0 =	stileid.u32;
	s5 =	rddreg [dreg:$0x1];
	s6 =	simm.s32 $0x1  }
0x3: {  	s9 =	simm.s32 $0x1;
	s10 =	simm.s32 $0x3;
	s1 =	sshll.u32 s1, $0xA  }
0x4: {  	s13 =	simm.s32 $0x0;
	s3 =	sshll.u32 s0, $0xB;
	s4 =	sand.u32 $0x400, s1  }
0x5: {  	s12 =	simm.s32 $0x0;
	s1 =	rddreg [dreg:$0x2];
	s3 =	sor.u32 s3, s4  }
0x6: {  	_ =	strace $0x80000047;
	s4 =	sadd.s32 $0xA00, s5;
	s8 =	ssub.s32 $0x10000, s3  }
.Ltmp0:
0x7: {  	s5 =	sadd.s32 $0x5000, s5;
	s7 =	sand.u32 $0x7C00, s8;
	(pc) =	sbr.rel .LBB2_1-.Ltmp0, $4  }
0x8: {  	[sflag:s6] =	ssyncpa.u1 $0x0;
	s11 =	smov.u32 s3;
	p0 =	sne.s32 s7, $0x0  }
0x9: {  	s8 =	sshrl.u32 s8, $0xF;
	s7 =	simm.s32 $0x2;
	s9 =	simm.s32 @!p0 $0x0  }
0xa: {  	[sflag:s7] =	ssyncpa.u1 $0x0;
	p0 =	por $0x0, $0x0;
	s8 =	sadd.s32 s9, s8  }
0xb: {  	vm0 =	vmmov $0xffff;
	[sflag:s10] =	ssyncpa.u1 $0x0;
	s10 =	simm.s32 $0x0;
	s9 =	sadd.s32 $0x1, s8  }
.LBB2_4:
0xc: {  	v2 =	vand.u32 $0x7, v2;
	v3 =	vand.u32 $0x70000, v3;
	v4 =	vand.u32 $0xFC00, v4  }
0xd: {  	v1 =	vand.u32 $0x7F, v1;
	v2 =	vsel vm1, $0xFFFFFFFF, v2;
	v3 =	vor.u32 v4, v3  }
0xe: {  	v1 =	vsel vm1, $0xFFFFFFFF, v1;
	v3 =	vsel vm1, $0xFFFEFC00, v3;
	v62 =	vand.u32 $0xFFFFFC00, v2  }
0xf: {  	v63 =	vand.u32 $0xFFFFFC00, v1;
	v3 =	vadd.s32 v62, v3  }
0x10: {  	v1 =	vand.u32 $0x7F, v1;
	v2 =	vshll.u32 v2, $0x7;
	v3 =	vadd.s32 v63, v3  }
0x11: {  	v2 =	vand.u32 $0x380, v2;
	v1 =	vor.u32 v1, v3  }
0x12: {  	v1 =	vor.u32 v2, v1;
	_ =	sdelay $0x1  }
0x13: {  	(ifvalue) =	ssetifvalue $0x7FFFFFFF;
	s14 =	sadd.s32 $0x10, s14  }
0x14: {  	[tilespmem:s14], [sflag:$0x1] =	stream.indirect_vreg.gather [hbm4b:s2+s10], $0x1, v0, vm0, $0x4038;
	[tilespmem:$0x1000] =	vst v63  }
0x15: {  	(ifvalue) =	ssetifvalue $0x7FFFFFFF;
	s14 =	sadd.s32 $0x10, s14  }
0x16: {  	[tilespmem:s14], [sflag:$0x1] =	stream.indirect_vreg.gather [hbm4b:s2+s10], $0x1, v1, vm0, $0x4038;
	[tilespmem:$0x1000] =	vst v63  }
0x17: {  	_ =	swait.ge [sflag:s6], $0x400  }
0x18: {  	s30 =	sshrl.u32 s13, $0x3;
	[sflag:s6] =	ssyncset.done $0x0  }
0x19: {  	s31 =	sand.u32 $0x7, s13;
	s14 =	sadd.s32 s5, s30;
	[sflag:s6] =	ssyncadd.s32 $0xFFFFFC00  }
0x1a: {  	[hbm4b:s14+s31] =	stream.linear.scatter [tilespmem:s15], [sflag:$0x3], $0x400, $0x38;
	[tilespmem:$0x1000] =	vst v63  }
.LBB2_5:
0x1b: {  	s15 =	sadd.s32 $0x8000, s11  }
0x1c: {  	p2 =	sgt.s32 s15, $0xFFFF  }
0x1d: {  	s15 =	smov.u32 @p2 s3;
	p2 =	sne.s32 s12, s9  }
.Ltmp1:
0x1e: {  	p1 =	slt.u32 s12, $0x2;
	(pc) =	sbr.rel @!p2 .LBB2_6-.Ltmp1, $4  }
0x1f: {  	s14 =	simm.s32 @!p1 $0x3  }
0x20: {  	s16 =	sadd.s32 $0x1, s12;
	_ =	swait.ge @!p1 [sflag:s14], $0x400  }
0x21: {  	s13 =	smov.u32 s11;
	p0 =	por !p0, !p0;
	[sflag:s14] =	ssyncset.done @!p1 $0x0  }
0x22: {  	s12 =	smov.u32 s16;
	s11 =	smov.u32 s15;
	[sflag:s14] =	ssyncadd.s32 @!p1 $0xFFFFFC00  }
.LBB2_1:
0x23: {  	p1 =	sge.u32 s12, s8  }
0x24: {  	s14 =	sxor.u32 @!p1 $0xFFFFFFFF, s12  }
0x25: {  	s31 =	sadd.s32 $0xFFFFFFFF, s12;
	s15 =	sshrl.u32 @!p1 s11, $0x3;
	s14 =	sshll.u32 @!p1 s14, $0xA  }
0x26: {  	s16 =	sand.u32 @!p1 $0x7, s11;
	s15 =	sadd.s32 @!p1 s4, s15;
	s14 =	sand.u32 @!p1 $0x400, s14  }
0x27: {  	[tilespmem:s14], [sflag:$0x2] =	stream.linear.gather @!p1 [hbm4b:s15+s16], $0x400, $0x38;
	[tilespmem:$0x1000] =	vst v63  }
0x28: {  	p1 =	sge.u32 s31, s8  }
.Ltmp2:
0x29: {  	_ = 	snop;
	(pc) =	sbr.rel @p1 .LBB2_5-.Ltmp2, $1  }
0x2a: {  	_ =	sdelay $0x3  }
0x2b: {  	s14 =	simm.s32 $0x1  }
0x2c: {  	_ =	swait.ge [sflag:s7], $0x400;
	s14 =	simm.s32 @!p0 $0x0  }
0x2d: {  	[sflag:s7] =	ssyncset.done $0x0;
	s14 =	sshll.u32 s14, $0xA  }
0x2e: {  	[sflag:s7] =	ssyncadd.s32 $0xFFFFFC00;
	(ifvalue) =	ssetifvalue $0x7FFFFFFF;
	v0 =	vld.msk [tilespmem:s14+$0x0 ss:$0x1], $0xffff;
	_ =	sdelay $0x3  }
0x2f: {  	s15 =	sadd.s32 $0x10, s14  }
0x30: {  	v4 =	vld.msk [tilespmem:s15+$0x0 ss:$0x1], $0xffff;
	vm1 =	veq.s32 v0, $0x80000000;
	v1 =	vshrl.u32 v0, $0x9;
	v2 =	vshrl.u32 v0, $0x10  }
0x31: {  	v3 =	vshll.u32 v0, $0x10;
	v0 =	vshll.u32 v0, $0x7;
	v2 =	vand.u32 $0x7, v2  }
0x32: {  	v3 =	vand.u32 $0x70000, v3;
	v0 =	vand.u32 $0xFC00, v0;
	v1 =	vand.u32 $0x7F, v1  }
0x33: {  	v2 =	vsel vm1, $0xFFFFFFFF, v2;
	v0 =	vor.u32 v0, v3;
	v1 =	vsel vm1, $0xFFFFFFFF, v1  }
0x34: {  	v0 =	vsel vm1, $0xFFFEFC00, v0;
	v3 =	vand.u32 $0xFFFFFC00, v2;
	v2 =	vshll.u32 v2, $0x7  }
0x35: {  	vm1 =	veq.s32 v4, $0x80000000;
	v0 =	vadd.s32 v3, v0;
	v3 =	vand.u32 $0xFFFFFC00, v1  }
0x36: {  	v1 =	vand.u32 $0x7F, v1;
	v2 =	vand.u32 $0x380, v2;
	v0 =	vadd.s32 v3, v0  }
0x37: {  	v3 =	vshll.u32 v4, $0x10;
	v0 =	vor.u32 v1, v0;
	v1 =	vshrl.u32 v4, $0x9  }
0x38: {  	v0 =	vor.u32 v2, v0;
	v2 =	vshrl.u32 v4, $0x10;
	v4 =	vshll.u32 v4, $0x7  }
0x39: {  	s17 =	sadd.s32 $0x10, s15;
	v3 =	vand.u32 $0x70000, v3;
	v2 =	vand.u32 $0x7, v2;
	v4 =	vand.u32 $0xFC00, v4  }
0x3a: {  	v5 =	vld.msk [tilespmem:s17+$0x0 ss:$0x1], $0xffff;
	v1 =	vand.u32 $0x7F, v1;
	v2 =	vsel vm1, $0xFFFFFFFF, v2;
	v3 =	vor.u32 v4, v3  }
0x3b: {  	v1 =	vsel vm1, $0xFFFFFFFF, v1;
	v3 =	vsel vm1, $0xFFFEFC00, v3;
	v4 =	vand.u32 $0xFFFFFC00, v2  }
0x3c: {  	v3 =	vadd.s32 v4, v3;
	v4 =	vand.u32 $0xFFFFFC00, v1  }
0x3d: {  	s31 =	sshll.u32 s12, $0xA;
	s14 =	sor.u32 $0x800, s14;
	(ifvalue) =	ssetifvalue $0x7FFFFFFF;
	v2 =	vshll.u32 v2, $0x7;
	v1 =	vand.u32 $0x7F, v1;
	v3 =	vadd.s32 v4, v3  }
0x3e: {  	[tilespmem:s14], [sflag:$0x1] =	stream.indirect_vreg.gather [hbm4b:s2+s10], $0x1, v0, vm0, $0x4038;
	v0 =	vand.u32 $0x380, v2;
	v2 =	vor.u32 v1, v3;
	[tilespmem:$0x1000] =	vst v63  }
0x3f: {  	s15 =	sand.u32 $0x400, s31;
	vm1 =	veq.s32 v5, $0x80000000;
	v4 =	vshll.u32 v5, $0x7;
	v0 =	vor.u32 v0, v2  }
0x40: {  	s16 =	simm.s32 $0x20;
	s15 =	sor.u32 $0x800, s15;
	s17 =	sadd.s32 $0x10, s17;
	v1 =	vshrl.u32 v5, $0x9;
	v3 =	vshll.u32 v5, $0x10;
	v2 =	vshrl.u32 v5, $0x10  }
.LBB2_3:
0x41: {  	v5 =	vld.msk [tilespmem:s17+$0x0 ss:$0x1], $0xffff;
	v2 =	vand.u32 $0x7, v2;
	v3 =	vand.u32 $0x70000, v3;
	v4 =	vand.u32 $0xFC00, v4  }
0x42: {  	s16 =	sadd.s32 $0x10, s16;
	v1 =	vand.u32 $0x7F, v1;
	v2 =	vsel vm1, $0xFFFFFFFF, v2;
	v3 =	vor.u32 v4, v3  }
0x43: {  	s14 =	sadd.s32 $0x10, s14;
	p1 =	slt.u32 s16, $0x3F0;
	v1 =	vsel vm1, $0xFFFFFFFF, v1;
	v3 =	vsel vm1, $0xFFFEFC00, v3;
	v4 =	vand.u32 $0xFFFFFC00, v2;
	(ifvalue) =	ssetifvalue $0x7FFFFFFF  }
0x44: {  	[tilespmem:s14], [sflag:$0x1] =	stream.indirect_vreg.gather [hbm4b:s2+s10], $0x1, v0, vm0, $0x4038;
	[tilespmem:$0x1000] =	vst v63  }
.Ltmp3:
0x45: {  	v3 =	vadd.s32 v4, v3;
	v4 =	vand.u32 $0xFFFFFC00, v1;
	(pc) =	sbr.rel @p1 .LBB2_3-.Ltmp3, $4  }
0x46: {  	v2 =	vshll.u32 v2, $0x7;
	v0 =	vand.u32 $0x7F, v1;
	v1 =	vadd.s32 v4, v3  }
0x47: {  	v2 =	vand.u32 $0x380, v2;
	v0 =	vor.u32 v0, v1  }
0x48: {  	vm1 =	veq.s32 v5, $0x80000000;
	v1 =	vshrl.u32 v5, $0x9;
	v0 =	vor.u32 v2, v0  }
0x49: {  	s17 =	sadd.s32 $0x10, s17;
	v3 =	vshll.u32 v5, $0x10;
	v4 =	vshll.u32 v5, $0x7;
	v2 =	vshrl.u32 v5, $0x10  }
.Ltmp4:
0x4a: {  	_ = 	snop;
	(pc) =	sbr.rel .LBB2_4-.Ltmp4, $1  }
0x4b: {  	_ =	sdelay $0x3  }
.LBB2_6:
0x4c: {  	_ =	sfence.sel $0x180000  }
0x4d: {  	s2 =	simm.s32 $0x2;
	[bflag:$0x0] =	sbarrier.arrive $0xFFFF  }
0x4e: {  	s30 =	simm.s32 $0x3;
	[sflag:s2] =	ssyncpa.u1 $0x1  }
0x4f: {  	s31 =	simm.s32 $0x1;
	[sflag:s30] =	ssyncpa.u1 $0x1  }
0x50: {  	[sflag:s31] =	ssyncpa.u1 $0x1  }
0x51: {  	p0 =	sne.s32 s0, $0x0;
	_ =	strace $0x90000047  }
0x52: {  	s0 =	sadd.s32 @!p0 $0x100000, s1;
	[bflag:$0x2] =	sbarrier.arrive $0xFFFF  }
0x53: {  	[sflag:s0] =	ssyncadd.tile.s32 @!p0 $0x1;
	_ =	shalt  }
.Lfunc_end2:
_tile_overlayer_lowered:
.L_overlay_start_2:
0x54: {  	(tag) =	ssettag $0x2  }
0x55: {  	s0 =	rddreg [dreg:$0x0];
	s2 =	stileid.u32  }
0x56: {  	s1 =	rddreg [dreg:$0x1];
	p0 =	sne.s32 s2, $0x0  }
0x57: {  	s3 =	rddreg [dreg:$0x2];
	[bflag:$0x3] =	sbarrier.arrive $0xFFFF;
	s2 =	simm.s32 @!p0 $0x1C01  }
0x58: {  	[timem:s3], [sflag:s2] =	dma.local @!p0 [hbm:s0], s1  }
0x59: {  	s0 =	simm.s32 @!p0 $0x1  }
0x5a: {  	_ =	swait.ge @!p0 [sflag:s0], s1  }
0x5b: {  	s1 =	ssub.s32 @!p0 $0x0, s1;
	[sflag:s0] =	ssyncset.done @!p0 $0x0  }
0x5c: {  	[sflag:s0] =	ssyncadd.s32 @!p0 s1  }
0x5d: {  	[bflag:$0x3] =	sbarrier.arrive $0xFFFF  }
0x5e: {  	_ =	shalt  }

</sc_bundles>
